<compile_context>
chip_gen: v7x
topology: tpu7x:2x2x1
jax: 0.10.2.dev20260603
libtpu: 0.0.44.dev20260713+nightly
codegen_flags: <defaults>
</compile_context>

<pallas_src>
import functools

import jax
import jax.numpy as jnp
from jax import lax
from jax.experimental import pallas as pl
from jax.experimental.pallas import tpu as pltpu
from jax.experimental.pallas import tpu_sc as plsc

NUM_EXPERTS = 64
TOPK = 2
_GCHUNK = 128


def _sc_gather(tab, flat_ids):
    n = flat_ids.shape[0]
    info = plsc.get_sparse_core_info()
    num_workers = info.num_cores * info.num_subcores
    b_per_w = n // num_workers
    n_chunks = b_per_w // _GCHUNK
    ids3d = flat_ids.reshape(num_workers, n_chunks, _GCHUNK)
    mesh = plsc.VectorSubcoreMesh(core_axis_name="c", subcore_axis_name="s")

    @functools.partial(
        pl.kernel,
        mesh=mesh,
        compiler_params=pltpu.CompilerParams(use_tc_tiling_on_sc=False),
        out_type=jax.ShapeDtypeStruct((n,), jnp.int32),
        scratch_types=[
            pltpu.VMEM((n_chunks, _GCHUNK), jnp.int32),
            pltpu.VMEM((b_per_w,), jnp.int32),
            pltpu.SemaphoreType.DMA,
        ],
    )
    def gather_kernel(tab_hbm, ids_hbm, e01_hbm, idx_v, e_v, sem):
        wid = lax.axis_index("s") * info.num_cores + lax.axis_index("c")
        base = wid * b_per_w
        pltpu.sync_copy(ids_hbm.at[wid], idx_v)
        for j in range(n_chunks):
            pltpu.async_copy(
                tab_hbm.at[idx_v.at[j]],
                e_v.at[pl.ds(j * _GCHUNK, _GCHUNK)],
                sem,
            )
        for j in range(n_chunks):
            pltpu.make_async_copy(
                tab_hbm.at[idx_v.at[j]],
                e_v.at[pl.ds(j * _GCHUNK, _GCHUNK)],
                sem,
            ).wait()
        pltpu.sync_copy(e_v, e01_hbm.at[pl.ds(base, b_per_w)])

    return gather_kernel(tab, ids3d)


def _tc_expand(e01):
    g, _, b = e01.shape
    n = g * b

    def body(e_ref, probs_ref, map_ref):
        packed = jnp.broadcast_to(e_ref[0], (NUM_EXPERTS, b))
        iota = lax.broadcasted_iota(jnp.int32, (NUM_EXPERTS, b), 0)
        hit = (iota == (packed & 0xFFFF)) | (iota == (packed >> 16))
        probs_ref[...] = jnp.where(hit, jnp.float32(1.0 / TOPK), jnp.float32(0.0))
        map_ref[...] = hit.astype(jnp.int8)

    return pl.pallas_call(
        body,
        grid=(g,),
        in_specs=[pl.BlockSpec((1, 1, b), lambda i: (i, 0, 0))],
        out_specs=[
            pl.BlockSpec((NUM_EXPERTS, b), lambda i: (0, i)),
            pl.BlockSpec((NUM_EXPERTS, b), lambda i: (0, i)),
        ],
        out_shape=[
            jax.ShapeDtypeStruct((NUM_EXPERTS, n), jnp.float32),
            jax.ShapeDtypeStruct((NUM_EXPERTS, n), jnp.int8),
        ],
    )(e01)


_TC_BLOCK = 16384


def kernel(token_ids, tid2eid):
    flat_ids = token_ids.reshape(-1)
    n = flat_ids.shape[0]
    packed_tab = tid2eid[:, 0] | (tid2eid[:, 1] << 16)
    e01 = _sc_gather(packed_tab, flat_ids)
    g = n // _TC_BLOCK
    probs_t, map_t = _tc_expand(e01.reshape(g, 1, _TC_BLOCK))
    return probs_t.T, map_t.T.astype(bool)

# --- scband reference (transcript-rebuilt; emitter-appended) ---
"""Pipeline reference for scband-hash-router-9637906612577 (READ-ONLY COPY).

The authoritative reference and input builder live on the scoring server;
editing this copy changes nothing except your own understanding.
"""

import jax, jax.numpy as jnp
import numpy as np

NUM_EXPERTS = 64
TOPK = 2
VOCAB_SIZE = 100000
BATCH = 4
SEQ = 8192


def _build_tid2eid(seed=0):
    # Deterministic hash table: for each token id, a fixed set of TOPK distinct expert ids.
    # (Mirrors torch randperm-per-row construction; exact permutation values differ by RNG,
    #  but the structure -- distinct expert ids per row, uniform -- is faithful.)
    rng = np.random.default_rng(seed)
    scores = rng.random((VOCAB_SIZE, NUM_EXPERTS))
    tid2eid = np.argsort(scores, axis=1)[:, :TOPK].astype(np.int32)
    return jnp.asarray(tid2eid)


def setup_inputs(seed: int = 0) -> dict:
    key = jax.random.key(seed)
    # int32 used on CPU jax (x64 disabled by default); values < VOCAB_SIZE fit easily.
    token_ids = jax.random.randint(key, (BATCH, SEQ), 0, VOCAB_SIZE, dtype=jnp.int32)
    tid2eid = _build_tid2eid(0)
    return {"token_ids": token_ids, "tid2eid": tid2eid}


def reference(token_ids, tid2eid):
    flat_ids = token_ids.reshape(-1)                      # [N]
    eids = jnp.take(tid2eid, flat_ids, axis=0)            # gather: [N, TOPK]
    n = flat_ids.shape[0]
    rows = jnp.arange(n)[:, None]                         # [N, 1]
    routing_map = jnp.zeros((n, NUM_EXPERTS), dtype=bool).at[rows, eids].set(True)
    weight = 1.0 / float(TOPK)
    probs = jnp.zeros((n, NUM_EXPERTS), dtype=jnp.float32).at[rows, eids].set(weight)
    return probs, routing_map

if __name__ == "__main__":
    import jax
    _d = setup_inputs()
    print(jax.jit(kernel)(*tuple(_d.values())))

</pallas_src>

<mosaic_0001>
#map = affine_map<(d0, d1) -> (0)>
#map1 = affine_map<(d0, d1) -> (0, 0, 0)>
module attributes {stable_mosaic.version = 14 : i64} {
  func.func @gather_kernel(%arg0: i32, %arg1: i32, %arg2: memref<100000xi32, #tpu.memory_space<hbm>>, %arg3: memref<32x8x128xi32, #tpu.memory_space<hbm>>, %arg4: memref<32768xi32, #tpu.memory_space<hbm>>, %arg5: memref<8x128xi32, #tpu.memory_space<vmem>>, %arg6: memref<1024xi32, #tpu.memory_space<vmem>>, %arg7: memref<!tpu.dma_semaphore, #tpu.memory_space<semaphore_mem>>) attributes {dimension_semantics = [#tpu.dimension_semantics<core_parallel>, #tpu.dimension_semantics<subcore_parallel>], iteration_bounds = array<i64: 2, 16>, scalar_prefetch = 0 : i64, scratch_operands = 3 : i64, tpu.core_type = #tpu.core_type<sc_vector_subcore>, window_params = [{transform_indices = #map}, {transform_indices = #map1}, {transform_indices = #map}]} {
    %mul3A = arith.constant 2 : i32
    %mul3A_0 = arith.muli %arg1, %mul3A : i32
    %add3A = arith.addi %mul3A_0, %arg0 : i32
    %mul3A_1 = arith.constant 1024 : i32
    %mul3A_2 = arith.muli %add3A, %mul3A_1 : i32
    "tpu.region"() ({
      %run_scoped3A = tpu.sem_alloc : memref<!tpu.dma_semaphore, #tpu.memory_space<semaphore_mem>>
      %dma_start3A_129 = arith.constant 0 : i32
      %dma_start3A_130 = arith.constant 0 : i32
      %dma_start3A_131 = tpu.memref_slice %arg3[%add3A, %dma_start3A_129, %dma_start3A_130] : memref<32x8x128xi32, #tpu.memory_space<hbm>> -> memref<1x8x128xi32, #tpu.memory_space<hbm>>
      %dma_start3A_132 = tpu.memref_squeeze %dma_start3A_131 : memref<1x8x128xi32, #tpu.memory_space<hbm>> -> memref<8x128xi32, #tpu.memory_space<hbm>>
      %dma_start3A_133 = arith.constant 0 : i32
      %dma_start3A_134 = arith.constant 0 : i32
      %dma_start3A_135 = tpu.memref_slice %arg3[%add3A, %dma_start3A_133, %dma_start3A_134] : memref<32x8x128xi32, #tpu.memory_space<hbm>> -> memref<1x8x128xi32, #tpu.memory_space<hbm>>
      %dma_start3A_136 = tpu.memref_squeeze %dma_start3A_135 : memref<1x8x128xi32, #tpu.memory_space<hbm>> -> memref<8x128xi32, #tpu.memory_space<hbm>>
      tpu.enqueue_dma source(%dma_start3A_136 : memref<8x128xi32, #tpu.memory_space<hbm>>) target(%arg5 : memref<8x128xi32, #tpu.memory_space<vmem>>) target_semaphore(%run_scoped3A : memref<!tpu.dma_semaphore, #tpu.memory_space<semaphore_mem>>)
      %dma_wait3A_137 = arith.constant 0 : i32
      %dma_wait3A_138 = arith.constant 0 : i32
      %dma_wait3A_139 = tpu.memref_slice %arg3[%add3A, %dma_wait3A_137, %dma_wait3A_138] : memref<32x8x128xi32, #tpu.memory_space<hbm>> -> memref<1x8x128xi32, #tpu.memory_space<hbm>>
      %dma_wait3A_140 = tpu.memref_squeeze %dma_wait3A_139 : memref<1x8x128xi32, #tpu.memory_space<hbm>> -> memref<8x128xi32, #tpu.memory_space<hbm>>
      %dma_wait3A_141 = arith.constant 0 : i32
      %dma_wait3A_142 = arith.constant 0 : i32
      %dma_wait3A_143 = tpu.memref_slice %arg3[%add3A, %dma_wait3A_141, %dma_wait3A_142] : memref<32x8x128xi32, #tpu.memory_space<hbm>> -> memref<1x8x128xi32, #tpu.memory_space<hbm>>
      %dma_wait3A_144 = tpu.memref_squeeze %dma_wait3A_143 : memref<1x8x128xi32, #tpu.memory_space<hbm>> -> memref<8x128xi32, #tpu.memory_space<hbm>>
      tpu.wait_dma2 semaphore(%run_scoped3A : memref<!tpu.dma_semaphore, #tpu.memory_space<semaphore_mem>>) src(%dma_wait3A_144 : memref<8x128xi32, #tpu.memory_space<hbm>>) dst(%arg5 : memref<8x128xi32, #tpu.memory_space<vmem>>)
      tpu.yield
    }) : () -> ()
    %dma_start3A = arith.constant 0 : i32
    %dma_start3A_3 = arith.constant 0 : i32
    %dma_start3A_4 = tpu.memref_slice %arg6[%dma_start3A_3] : memref<1024xi32, #tpu.memory_space<vmem>> -> memref<128xi32, #tpu.memory_space<vmem>>
    %dma_start3A_5 = arith.constant 0 : i32
    %dma_start3A_6 = tpu.memref_slice %arg5[%dma_start3A, %dma_start3A_5] : memref<8x128xi32, #tpu.memory_space<vmem>> -> memref<1x128xi32, #tpu.memory_space<vmem>>
    %dma_start3A_7 = tpu.memref_squeeze %dma_start3A_6 : memref<1x128xi32, #tpu.memory_space<vmem>> -> memref<128xi32, #tpu.memory_space<vmem>>
    %dma_start3A_8 = arith.constant 0 : i32
    %dma_start3A_9 = tpu.memref_slice %arg2[%dma_start3A_8] : memref<100000xi32, #tpu.memory_space<hbm>> -> memref<100000xi32, #tpu.memory_space<hbm>>
    tpu.enqueue_indirect_dma source(%dma_start3A_9 : memref<100000xi32, #tpu.memory_space<hbm>>) target(%dma_start3A_4 : memref<128xi32, #tpu.memory_space<vmem>>) offsets(%dma_start3A_7 : memref<128xi32, #tpu.memory_space<vmem>>) semaphore(%arg7 : memref<!tpu.dma_semaphore, #tpu.memory_space<semaphore_mem>>)
    %dma_start3A_10 = arith.constant 1 : i32
    %dma_start3A_11 = arith.constant 128 : i32
    %dma_start3A_12 = tpu.memref_slice %arg6[%dma_start3A_11] : memref<1024xi32, #tpu.memory_space<vmem>> -> memref<128xi32, #tpu.memory_space<vmem>>
    %dma_start3A_13 = arith.constant 0 : i32
    %dma_start3A_14 = tpu.memref_slice %arg5[%dma_start3A_10, %dma_start3A_13] : memref<8x128xi32, #tpu.memory_space<vmem>> -> memref<1x128xi32, #tpu.memory_space<vmem>>
    %dma_start3A_15 = tpu.memref_squeeze %dma_start3A_14 : memref<1x128xi32, #tpu.memory_space<vmem>> -> memref<128xi32, #tpu.memory_space<vmem>>
    %dma_start3A_16 = arith.constant 0 : i32
    %dma_start3A_17 = tpu.memref_slice %arg2[%dma_start3A_16] : memref<100000xi32, #tpu.memory_space<hbm>> -> memref<100000xi32, #tpu.memory_space<hbm>>
    tpu.enqueue_indirect_dma source(%dma_start3A_17 : memref<100000xi32, #tpu.memory_space<hbm>>) target(%dma_start3A_12 : memref<128xi32, #tpu.memory_space<vmem>>) offsets(%dma_start3A_15 : memref<128xi32, #tpu.memory_space<vmem>>) semaphore(%arg7 : memref<!tpu.dma_semaphore, #tpu.memory_space<semaphore_mem>>)
    %dma_start3A_18 = arith.constant 2 : i32
    %dma_start3A_19 = arith.constant 256 : i32
    %dma_start3A_20 = tpu.memref_slice %arg6[%dma_start3A_19] : memref<1024xi32, #tpu.memory_space<vmem>> -> memref<128xi32, #tpu.memory_space<vmem>>
    %dma_start3A_21 = arith.constant 0 : i32
    %dma_start3A_22 = tpu.memref_slice %arg5[%dma_start3A_18, %dma_start3A_21] : memref<8x128xi32, #tpu.memory_space<vmem>> -> memref<1x128xi32, #tpu.memory_space<vmem>>
    %dma_start3A_23 = tpu.memref_squeeze %dma_start3A_22 : memref<1x128xi32, #tpu.memory_space<vmem>> -> memref<128xi32, #tpu.memory_space<vmem>>
    %dma_start3A_24 = arith.constant 0 : i32
    %dma_start3A_25 = tpu.memref_slice %arg2[%dma_start3A_24] : memref<100000xi32, #tpu.memory_space<hbm>> -> memref<100000xi32, #tpu.memory_space<hbm>>
    tpu.enqueue_indirect_dma source(%dma_start3A_25 : memref<100000xi32, #tpu.memory_space<hbm>>) target(%dma_start3A_20 : memref<128xi32, #tpu.memory_space<vmem>>) offsets(%dma_start3A_23 : memref<128xi32, #tpu.memory_space<vmem>>) semaphore(%arg7 : memref<!tpu.dma_semaphore, #tpu.memory_space<semaphore_mem>>)
    %dma_start3A_26 = arith.constant 3 : i32
    %dma_start3A_27 = arith.constant 384 : i32
    %dma_start3A_28 = tpu.memref_slice %arg6[%dma_start3A_27] : memref<1024xi32, #tpu.memory_space<vmem>> -> memref<128xi32, #tpu.memory_space<vmem>>
    %dma_start3A_29 = arith.constant 0 : i32
    %dma_start3A_30 = tpu.memref_slice %arg5[%dma_start3A_26, %dma_start3A_29] : memref<8x128xi32, #tpu.memory_space<vmem>> -> memref<1x128xi32, #tpu.memory_space<vmem>>
    %dma_start3A_31 = tpu.memref_squeeze %dma_start3A_30 : memref<1x128xi32, #tpu.memory_space<vmem>> -> memref<128xi32, #tpu.memory_space<vmem>>
    %dma_start3A_32 = arith.constant 0 : i32
    %dma_start3A_33 = tpu.memref_slice %arg2[%dma_start3A_32] : memref<100000xi32, #tpu.memory_space<hbm>> -> memref<100000xi32, #tpu.memory_space<hbm>>
    tpu.enqueue_indirect_dma source(%dma_start3A_33 : memref<100000xi32, #tpu.memory_space<hbm>>) target(%dma_start3A_28 : memref<128xi32, #tpu.memory_space<vmem>>) offsets(%dma_start3A_31 : memref<128xi32, #tpu.memory_space<vmem>>) semaphore(%arg7 : memref<!tpu.dma_semaphore, #tpu.memory_space<semaphore_mem>>)
    %dma_start3A_34 = arith.constant 4 : i32
    %dma_start3A_35 = arith.constant 512 : i32
    %dma_start3A_36 = tpu.memref_slice %arg6[%dma_start3A_35] : memref<1024xi32, #tpu.memory_space<vmem>> -> memref<128xi32, #tpu.memory_space<vmem>>
    %dma_start3A_37 = arith.constant 0 : i32
    %dma_start3A_38 = tpu.memref_slice %arg5[%dma_start3A_34, %dma_start3A_37] : memref<8x128xi32, #tpu.memory_space<vmem>> -> memref<1x128xi32, #tpu.memory_space<vmem>>
    %dma_start3A_39 = tpu.memref_squeeze %dma_start3A_38 : memref<1x128xi32, #tpu.memory_space<vmem>> -> memref<128xi32, #tpu.memory_space<vmem>>
    %dma_start3A_40 = arith.constant 0 : i32
    %dma_start3A_41 = tpu.memref_slice %arg2[%dma_start3A_40] : memref<100000xi32, #tpu.memory_space<hbm>> -> memref<100000xi32, #tpu.memory_space<hbm>>
    tpu.enqueue_indirect_dma source(%dma_start3A_41 : memref<100000xi32, #tpu.memory_space<hbm>>) target(%dma_start3A_36 : memref<128xi32, #tpu.memory_space<vmem>>) offsets(%dma_start3A_39 : memref<128xi32, #tpu.memory_space<vmem>>) semaphore(%arg7 : memref<!tpu.dma_semaphore, #tpu.memory_space<semaphore_mem>>)
    %dma_start3A_42 = arith.constant 5 : i32
    %dma_start3A_43 = arith.constant 640 : i32
    %dma_start3A_44 = tpu.memref_slice %arg6[%dma_start3A_43] : memref<1024xi32, #tpu.memory_space<vmem>> -> memref<128xi32, #tpu.memory_space<vmem>>
    %dma_start3A_45 = arith.constant 0 : i32
    %dma_start3A_46 = tpu.memref_slice %arg5[%dma_start3A_42, %dma_start3A_45] : memref<8x128xi32, #tpu.memory_space<vmem>> -> memref<1x128xi32, #tpu.memory_space<vmem>>
    %dma_start3A_47 = tpu.memref_squeeze %dma_start3A_46 : memref<1x128xi32, #tpu.memory_space<vmem>> -> memref<128xi32, #tpu.memory_space<vmem>>
    %dma_start3A_48 = arith.constant 0 : i32
    %dma_start3A_49 = tpu.memref_slice %arg2[%dma_start3A_48] : memref<100000xi32, #tpu.memory_space<hbm>> -> memref<100000xi32, #tpu.memory_space<hbm>>
    tpu.enqueue_indirect_dma source(%dma_start3A_49 : memref<100000xi32, #tpu.memory_space<hbm>>) target(%dma_start3A_44 : memref<128xi32, #tpu.memory_space<vmem>>) offsets(%dma_start3A_47 : memref<128xi32, #tpu.memory_space<vmem>>) semaphore(%arg7 : memref<!tpu.dma_semaphore, #tpu.memory_space<semaphore_mem>>)
    %dma_start3A_50 = arith.constant 6 : i32
    %dma_start3A_51 = arith.constant 768 : i32
    %dma_start3A_52 = tpu.memref_slice %arg6[%dma_start3A_51] : memref<1024xi32, #tpu.memory_space<vmem>> -> memref<128xi32, #tpu.memory_space<vmem>>
    %dma_start3A_53 = arith.constant 0 : i32
    %dma_start3A_54 = tpu.memref_slice %arg5[%dma_start3A_50, %dma_start3A_53] : memref<8x128xi32, #tpu.memory_space<vmem>> -> memref<1x128xi32, #tpu.memory_space<vmem>>
    %dma_start3A_55 = tpu.memref_squeeze %dma_start3A_54 : memref<1x128xi32, #tpu.memory_space<vmem>> -> memref<128xi32, #tpu.memory_space<vmem>>
    %dma_start3A_56 = arith.constant 0 : i32
    %dma_start3A_57 = tpu.memref_slice %arg2[%dma_start3A_56] : memref<100000xi32, #tpu.memory_space<hbm>> -> memref<100000xi32, #tpu.memory_space<hbm>>
    tpu.enqueue_indirect_dma source(%dma_start3A_57 : memref<100000xi32, #tpu.memory_space<hbm>>) target(%dma_start3A_52 : memref<128xi32, #tpu.memory_space<vmem>>) offsets(%dma_start3A_55 : memref<128xi32, #tpu.memory_space<vmem>>) semaphore(%arg7 : memref<!tpu.dma_semaphore, #tpu.memory_space<semaphore_mem>>)
    %dma_start3A_58 = arith.constant 7 : i32
    %dma_start3A_59 = arith.constant 896 : i32
    %dma_start3A_60 = tpu.memref_slice %arg6[%dma_start3A_59] : memref<1024xi32, #tpu.memory_space<vmem>> -> memref<128xi32, #tpu.memory_space<vmem>>
    %dma_start3A_61 = arith.constant 0 : i32
    %dma_start3A_62 = tpu.memref_slice %arg5[%dma_start3A_58, %dma_start3A_61] : memref<8x128xi32, #tpu.memory_space<vmem>> -> memref<1x128xi32, #tpu.memory_space<vmem>>
    %dma_start3A_63 = tpu.memref_squeeze %dma_start3A_62 : memref<1x128xi32, #tpu.memory_space<vmem>> -> memref<128xi32, #tpu.memory_space<vmem>>
    %dma_start3A_64 = arith.constant 0 : i32
    %dma_start3A_65 = tpu.memref_slice %arg2[%dma_start3A_64] : memref<100000xi32, #tpu.memory_space<hbm>> -> memref<100000xi32, #tpu.memory_space<hbm>>
    tpu.enqueue_indirect_dma source(%dma_start3A_65 : memref<100000xi32, #tpu.memory_space<hbm>>) target(%dma_start3A_60 : memref<128xi32, #tpu.memory_space<vmem>>) offsets(%dma_start3A_63 : memref<128xi32, #tpu.memory_space<vmem>>) semaphore(%arg7 : memref<!tpu.dma_semaphore, #tpu.memory_space<semaphore_mem>>)
    %dma_wait3A = arith.constant 0 : i32
    %dma_wait3A_66 = arith.constant 0 : i32
    %dma_wait3A_67 = tpu.memref_slice %arg6[%dma_wait3A_66] : memref<1024xi32, #tpu.memory_space<vmem>> -> memref<128xi32, #tpu.memory_space<vmem>>
    %dma_wait3A_68 = arith.constant 0 : i32
    %dma_wait3A_69 = tpu.memref_slice %arg5[%dma_wait3A, %dma_wait3A_68] : memref<8x128xi32, #tpu.memory_space<vmem>> -> memref<1x128xi32, #tpu.memory_space<vmem>>
    %dma_wait3A_70 = tpu.memref_squeeze %dma_wait3A_69 : memref<1x128xi32, #tpu.memory_space<vmem>> -> memref<128xi32, #tpu.memory_space<vmem>>
    %dma_wait3A_71 = arith.constant 0 : i32
    %dma_wait3A_72 = tpu.memref_slice %arg2[%dma_wait3A_71] : memref<100000xi32, #tpu.memory_space<hbm>> -> memref<100000xi32, #tpu.memory_space<hbm>>
    tpu.wait_indirect_dma semaphore(%arg7 : memref<!tpu.dma_semaphore, #tpu.memory_space<semaphore_mem>>) src(%dma_wait3A_72 : memref<100000xi32, #tpu.memory_space<hbm>>) dst(%dma_wait3A_67 : memref<128xi32, #tpu.memory_space<vmem>>)
    %dma_wait3A_73 = arith.constant 1 : i32
    %dma_wait3A_74 = arith.constant 128 : i32
    %dma_wait3A_75 = tpu.memref_slice %arg6[%dma_wait3A_74] : memref<1024xi32, #tpu.memory_space<vmem>> -> memref<128xi32, #tpu.memory_space<vmem>>
    %dma_wait3A_76 = arith.constant 0 : i32
    %dma_wait3A_77 = tpu.memref_slice %arg5[%dma_wait3A_73, %dma_wait3A_76] : memref<8x128xi32, #tpu.memory_space<vmem>> -> memref<1x128xi32, #tpu.memory_space<vmem>>
    %dma_wait3A_78 = tpu.memref_squeeze %dma_wait3A_77 : memref<1x128xi32, #tpu.memory_space<vmem>> -> memref<128xi32, #tpu.memory_space<vmem>>
    %dma_wait3A_79 = arith.constant 0 : i32
    %dma_wait3A_80 = tpu.memref_slice %arg2[%dma_wait3A_79] : memref<100000xi32, #tpu.memory_space<hbm>> -> memref<100000xi32, #tpu.memory_space<hbm>>
    tpu.wait_indirect_dma semaphore(%arg7 : memref<!tpu.dma_semaphore, #tpu.memory_space<semaphore_mem>>) src(%dma_wait3A_80 : memref<100000xi32, #tpu.memory_space<hbm>>) dst(%dma_wait3A_75 : memref<128xi32, #tpu.memory_space<vmem>>)
    %dma_wait3A_81 = arith.constant 2 : i32
    %dma_wait3A_82 = arith.constant 256 : i32
    %dma_wait3A_83 = tpu.memref_slice %arg6[%dma_wait3A_82] : memref<1024xi32, #tpu.memory_space<vmem>> -> memref<128xi32, #tpu.memory_space<vmem>>
    %dma_wait3A_84 = arith.constant 0 : i32
    %dma_wait3A_85 = tpu.memref_slice %arg5[%dma_wait3A_81, %dma_wait3A_84] : memref<8x128xi32, #tpu.memory_space<vmem>> -> memref<1x128xi32, #tpu.memory_space<vmem>>
    %dma_wait3A_86 = tpu.memref_squeeze %dma_wait3A_85 : memref<1x128xi32, #tpu.memory_space<vmem>> -> memref<128xi32, #tpu.memory_space<vmem>>
    %dma_wait3A_87 = arith.constant 0 : i32
    %dma_wait3A_88 = tpu.memref_slice %arg2[%dma_wait3A_87] : memref<100000xi32, #tpu.memory_space<hbm>> -> memref<100000xi32, #tpu.memory_space<hbm>>
    tpu.wait_indirect_dma semaphore(%arg7 : memref<!tpu.dma_semaphore, #tpu.memory_space<semaphore_mem>>) src(%dma_wait3A_88 : memref<100000xi32, #tpu.memory_space<hbm>>) dst(%dma_wait3A_83 : memref<128xi32, #tpu.memory_space<vmem>>)
    %dma_wait3A_89 = arith.constant 3 : i32
    %dma_wait3A_90 = arith.constant 384 : i32
    %dma_wait3A_91 = tpu.memref_slice %arg6[%dma_wait3A_90] : memref<1024xi32, #tpu.memory_space<vmem>> -> memref<128xi32, #tpu.memory_space<vmem>>
    %dma_wait3A_92 = arith.constant 0 : i32
    %dma_wait3A_93 = tpu.memref_slice %arg5[%dma_wait3A_89, %dma_wait3A_92] : memref<8x128xi32, #tpu.memory_space<vmem>> -> memref<1x128xi32, #tpu.memory_space<vmem>>
    %dma_wait3A_94 = tpu.memref_squeeze %dma_wait3A_93 : memref<1x128xi32, #tpu.memory_space<vmem>> -> memref<128xi32, #tpu.memory_space<vmem>>
    %dma_wait3A_95 = arith.constant 0 : i32
    %dma_wait3A_96 = tpu.memref_slice %arg2[%dma_wait3A_95] : memref<100000xi32, #tpu.memory_space<hbm>> -> memref<100000xi32, #tpu.memory_space<hbm>>
    tpu.wait_indirect_dma semaphore(%arg7 : memref<!tpu.dma_semaphore, #tpu.memory_space<semaphore_mem>>) src(%dma_wait3A_96 : memref<100000xi32, #tpu.memory_space<hbm>>) dst(%dma_wait3A_91 : memref<128xi32, #tpu.memory_space<vmem>>)
    %dma_wait3A_97 = arith.constant 4 : i32
    %dma_wait3A_98 = arith.constant 512 : i32
    %dma_wait3A_99 = tpu.memref_slice %arg6[%dma_wait3A_98] : memref<1024xi32, #tpu.memory_space<vmem>> -> memref<128xi32, #tpu.memory_space<vmem>>
    %dma_wait3A_100 = arith.constant 0 : i32
    %dma_wait3A_101 = tpu.memref_slice %arg5[%dma_wait3A_97, %dma_wait3A_100] : memref<8x128xi32, #tpu.memory_space<vmem>> -> memref<1x128xi32, #tpu.memory_space<vmem>>
    %dma_wait3A_102 = tpu.memref_squeeze %dma_wait3A_101 : memref<1x128xi32, #tpu.memory_space<vmem>> -> memref<128xi32, #tpu.memory_space<vmem>>
    %dma_wait3A_103 = arith.constant 0 : i32
    %dma_wait3A_104 = tpu.memref_slice %arg2[%dma_wait3A_103] : memref<100000xi32, #tpu.memory_space<hbm>> -> memref<100000xi32, #tpu.memory_space<hbm>>
    tpu.wait_indirect_dma semaphore(%arg7 : memref<!tpu.dma_semaphore, #tpu.memory_space<semaphore_mem>>) src(%dma_wait3A_104 : memref<100000xi32, #tpu.memory_space<hbm>>) dst(%dma_wait3A_99 : memref<128xi32, #tpu.memory_space<vmem>>)
    %dma_wait3A_105 = arith.constant 5 : i32
    %dma_wait3A_106 = arith.constant 640 : i32
    %dma_wait3A_107 = tpu.memref_slice %arg6[%dma_wait3A_106] : memref<1024xi32, #tpu.memory_space<vmem>> -> memref<128xi32, #tpu.memory_space<vmem>>
    %dma_wait3A_108 = arith.constant 0 : i32
    %dma_wait3A_109 = tpu.memref_slice %arg5[%dma_wait3A_105, %dma_wait3A_108] : memref<8x128xi32, #tpu.memory_space<vmem>> -> memref<1x128xi32, #tpu.memory_space<vmem>>
    %dma_wait3A_110 = tpu.memref_squeeze %dma_wait3A_109 : memref<1x128xi32, #tpu.memory_space<vmem>> -> memref<128xi32, #tpu.memory_space<vmem>>
    %dma_wait3A_111 = arith.constant 0 : i32
    %dma_wait3A_112 = tpu.memref_slice %arg2[%dma_wait3A_111] : memref<100000xi32, #tpu.memory_space<hbm>> -> memref<100000xi32, #tpu.memory_space<hbm>>
    tpu.wait_indirect_dma semaphore(%arg7 : memref<!tpu.dma_semaphore, #tpu.memory_space<semaphore_mem>>) src(%dma_wait3A_112 : memref<100000xi32, #tpu.memory_space<hbm>>) dst(%dma_wait3A_107 : memref<128xi32, #tpu.memory_space<vmem>>)
    %dma_wait3A_113 = arith.constant 6 : i32
    %dma_wait3A_114 = arith.constant 768 : i32
    %dma_wait3A_115 = tpu.memref_slice %arg6[%dma_wait3A_114] : memref<1024xi32, #tpu.memory_space<vmem>> -> memref<128xi32, #tpu.memory_space<vmem>>
    %dma_wait3A_116 = arith.constant 0 : i32
    %dma_wait3A_117 = tpu.memref_slice %arg5[%dma_wait3A_113, %dma_wait3A_116] : memref<8x128xi32, #tpu.memory_space<vmem>> -> memref<1x128xi32, #tpu.memory_space<vmem>>
    %dma_wait3A_118 = tpu.memref_squeeze %dma_wait3A_117 : memref<1x128xi32, #tpu.memory_space<vmem>> -> memref<128xi32, #tpu.memory_space<vmem>>
    %dma_wait3A_119 = arith.constant 0 : i32
    %dma_wait3A_120 = tpu.memref_slice %arg2[%dma_wait3A_119] : memref<100000xi32, #tpu.memory_space<hbm>> -> memref<100000xi32, #tpu.memory_space<hbm>>
    tpu.wait_indirect_dma semaphore(%arg7 : memref<!tpu.dma_semaphore, #tpu.memory_space<semaphore_mem>>) src(%dma_wait3A_120 : memref<100000xi32, #tpu.memory_space<hbm>>) dst(%dma_wait3A_115 : memref<128xi32, #tpu.memory_space<vmem>>)
    %dma_wait3A_121 = arith.constant 7 : i32
    %dma_wait3A_122 = arith.constant 896 : i32
    %dma_wait3A_123 = tpu.memref_slice %arg6[%dma_wait3A_122] : memref<1024xi32, #tpu.memory_space<vmem>> -> memref<128xi32, #tpu.memory_space<vmem>>
    %dma_wait3A_124 = arith.constant 0 : i32
    %dma_wait3A_125 = tpu.memref_slice %arg5[%dma_wait3A_121, %dma_wait3A_124] : memref<8x128xi32, #tpu.memory_space<vmem>> -> memref<1x128xi32, #tpu.memory_space<vmem>>
    %dma_wait3A_126 = tpu.memref_squeeze %dma_wait3A_125 : memref<1x128xi32, #tpu.memory_space<vmem>> -> memref<128xi32, #tpu.memory_space<vmem>>
    %dma_wait3A_127 = arith.constant 0 : i32
    %dma_wait3A_128 = tpu.memref_slice %arg2[%dma_wait3A_127] : memref<100000xi32, #tpu.memory_space<hbm>> -> memref<100000xi32, #tpu.memory_space<hbm>>
    tpu.wait_indirect_dma semaphore(%arg7 : memref<!tpu.dma_semaphore, #tpu.memory_space<semaphore_mem>>) src(%dma_wait3A_128 : memref<100000xi32, #tpu.memory_space<hbm>>) dst(%dma_wait3A_123 : memref<128xi32, #tpu.memory_space<vmem>>)
    "tpu.region"() ({
      %run_scoped3A = tpu.sem_alloc : memref<!tpu.dma_semaphore, #tpu.memory_space<semaphore_mem>>
      %dma_start3A_129 = tpu.memref_slice %arg4[%mul3A_2] : memref<32768xi32, #tpu.memory_space<hbm>> -> memref<1024xi32, #tpu.memory_space<hbm>>
      %dma_start3A_130 = tpu.memref_slice %arg4[%mul3A_2] : memref<32768xi32, #tpu.memory_space<hbm>> -> memref<1024xi32, #tpu.memory_space<hbm>>
      tpu.enqueue_dma source(%arg6 : memref<1024xi32, #tpu.memory_space<vmem>>) target(%dma_start3A_130 : memref<1024xi32, #tpu.memory_space<hbm>>) target_semaphore(%run_scoped3A : memref<!tpu.dma_semaphore, #tpu.memory_space<semaphore_mem>>)
      %dma_wait3A_131 = tpu.memref_slice %arg4[%mul3A_2] : memref<32768xi32, #tpu.memory_space<hbm>> -> memref<1024xi32, #tpu.memory_space<hbm>>
      %dma_wait3A_132 = tpu.memref_slice %arg4[%mul3A_2] : memref<32768xi32, #tpu.memory_space<hbm>> -> memref<1024xi32, #tpu.memory_space<hbm>>
      tpu.wait_dma2 semaphore(%run_scoped3A : memref<!tpu.dma_semaphore, #tpu.memory_space<semaphore_mem>>) src(%arg6 : memref<1024xi32, #tpu.memory_space<vmem>>) dst(%dma_wait3A_132 : memref<1024xi32, #tpu.memory_space<hbm>>)
      tpu.yield
    }) : () -> ()
    return
  }
}

module attributes {stable_mosaic.version = 14 : i64} {
  func.func @body(%arg0: i32, %arg1: memref<1x1x16384xi32, #tpu.memory_space<vmem>>, %arg2: memref<64x16384xf32, #tpu.memory_space<vmem>>, %arg3: memref<64x16384xi8, #tpu.memory_space<vmem>>) attributes {dimension_semantics = [#tpu.dimension_semantics<arbitrary>], iteration_bounds = array<i64: 2>, scalar_prefetch = 0 : i64, scratch_operands = 0 : i64, tpu.core_type = #tpu.core_type<tc>, window_params = [{transform_indices = @transform_0, window_bounds = array<i64: 1, 1, 16384>}, {transform_indices = @transform_1, window_bounds = array<i64: 64, 16384>}, {transform_indices = @transform_2, window_bounds = array<i64: 64, 16384>}]} {
    %get3A = arith.constant 0 : index
    %get3A_0 = arith.constant 0 : index
    %get3A_1 = arith.constant 0 : index
    %get3A_2 = vector.load %arg1[%get3A, %get3A_0, %get3A_1] : memref<1x1x16384xi32, #tpu.memory_space<vmem>>, vector<1x1x16384xi32>
    %get3A_3 = vector.shape_cast %get3A_2 : vector<1x1x16384xi32> to vector<1x16384xi32>
    %broadcast_in_dim3A = vector.shape_cast %get3A_3 : vector<1x16384xi32> to vector<1x16384xi32>
    %broadcast_in_dim3A_4 = vector.broadcast %broadcast_in_dim3A : vector<1x16384xi32> to vector<64x16384xi32>
    %iota3A = tpu.iota {dimensions = array<i32: 0>} : vector<64x16384xi32>
    %and3A = arith.constant 65535 : i32
    %and3A_5 = vector.broadcast %and3A : i32 to vector<64x16384xi32>
    %and3A_6 = arith.andi %broadcast_in_dim3A_4, %and3A_5 : vector<64x16384xi32>
    %eq3A = arith.cmpi eq, %iota3A, %and3A_6 : vector<64x16384xi32>
    %shift_right_arithmetic3A = arith.constant 16 : i32
    %shift_right_arithmetic3A_7 = vector.broadcast %shift_right_arithmetic3A : i32 to vector<64x16384xi32>
    %shift_right_arithmetic3A_8 = arith.shrsi %broadcast_in_dim3A_4, %shift_right_arithmetic3A_7 : vector<64x16384xi32>
    %eq3A_9 = arith.cmpi eq, %iota3A, %shift_right_arithmetic3A_8 : vector<64x16384xi32>
    %or3A = arith.ori %eq3A, %eq3A_9 : vector<64x16384xi1>
    %jit3A = arith.constant 5.000000e-01 : f32
    %jit3A_10 = arith.constant 0.000000e+00 : f32
    %broadcast_in_dim3A_11 = vector.broadcast %jit3A : f32 to vector<64x16384xf32>
    %broadcast_in_dim3A_12 = vector.broadcast %jit3A_10 : f32 to vector<64x16384xf32>
    %select_n3A = arith.select %or3A, %broadcast_in_dim3A_11, %broadcast_in_dim3A_12 : vector<64x16384xi1>, vector<64x16384xf32>
    %swap3A = arith.constant 0 : index
    %swap3A_13 = arith.constant 0 : index
    %swap3A_14 = vector.load %arg2[%swap3A, %swap3A_13] : memref<64x16384xf32, #tpu.memory_space<vmem>>, vector<64x16384xf32>
    tpu.vector_store %arg2[%swap3A, %swap3A_13], %select_n3A {strides = array<i32>} : memref<64x16384xf32, #tpu.memory_space<vmem>>, vector<64x16384xf32>,
    %convert_element_type3A = arith.extui %or3A : vector<64x16384xi1> to vector<64x16384xi8>
    %swap3A_15 = arith.constant 0 : index
    %swap3A_16 = arith.constant 0 : index
    %swap3A_17 = vector.load %arg3[%swap3A_15, %swap3A_16] : memref<64x16384xi8, #tpu.memory_space<vmem>>, vector<64x16384xi8>
    tpu.vector_store %arg3[%swap3A_15, %swap3A_16], %convert_element_type3A {strides = array<i32>} : memref<64x16384xi8, #tpu.memory_space<vmem>>, vector<64x16384xi8>,
    return
  }
  func.func @transform_0(%arg0: i32) -> (i32, i32, i32) {
    %c0_i32 = arith.constant 0 : i32
    %c0_i32_0 = arith.constant 0 : i32
    %c0_i32_1 = arith.constant 0 : i32
    return %arg0, %c0_i32, %c0_i32_0 : i32, i32, i32
  }
  func.func @transform_1(%arg0: i32) -> (i32, i32) {
    %c0_i32 = arith.constant 0 : i32
    %c0_i32_0 = arith.constant 0 : i32
    return %c0_i32, %arg0 : i32, i32
  }
  func.func @transform_2(%arg0: i32) -> (i32, i32) {
    %c0_i32 = arith.constant 0 : i32
    %c0_i32_0 = arith.constant 0 : i32
    return %c0_i32, %arg0 : i32, i32
  }
}

</mosaic_0001>

<sc_bundles>
// kernel: kernel.4.cloned.1.call-start
scs
__scs_entry_jumppad:
0x0: {  	(pc) =	sbr.rel $0x88, $3  }
0x1: {  	(tag) =	ssettag $0x0;
	lr =	simm.s32 $0x1  }
0x2: {  	[smem:$0x3F9F] =	sst lr;
	_ =	strace $0xD0000000  }
0x3: {  	_ = 	snop  }
0x4: {  	_ = 	snop  }
0x5: {  	_ = 	snop  }
0x6: {  	_ = 	snop  }
0x7: {  	_ = 	snop  }
__scs_overlays_trampoline_lowered:
0x8: {  	[smem:$0x3FAE] =	sst s0  }
0x9: {  	[smem:$0x3FAF] =	sst s1  }
0xa: {  	[smem:$0x3FB0] =	sst s2  }
0xb: {  	[smem:$0x3FB1] =	sst s3  }
0xc: {  	[smem:$0x3FB2] =	sst s4  }
0xd: {  	[smem:$0x3FB3] =	sst s5  }
0xe: {  	[smem:$0x3FB4] =	sst s6  }
0xf: {  	[smem:$0x3FB5] =	sst s7  }
0x10: {  	[smem:$0x3FB6] =	sst s8  }
0x11: {  	[smem:$0x3FB7] =	sst s9;
	s0 =	simm.s32 @!p0 $0x0  }
0x12: {  	s1 =	sld [smem:$0x3F9D];
	s0 =	simm.s32 @p0 $0x1  }
0x13: {  	[smem:$0x3FB8] =	sst s0;
	s0 =	simm.s32 @!p1 $0x0  }
0x14: {  	s2 =	sld [smem:$0x3F9C];
	s0 =	simm.s32 @p1 $0x1  }
0x15: {  	[smem:$0x3FB9] =	sst s0;
	s0 =	simm.s32 @!p2 $0x0  }
0x16: {  	s3 =	sld [smem:$0x3FDB];
	s0 =	simm.s32 @p2 $0x1  }
0x17: {  	s4 =	simm.s32 $0x1BF5;
	[smem:$0x3FBB] =	sst s0  }
0x18: {  	s0 =	sld [smem:$0x3F9E];
	_ =	swait.ge [sflag:s4], $0x0  }
0x19: {  	s7 =	sld [smem:$0x3F9F]  }
0x1a: {  	s8 =	sadd.s32 $0xFFFFE003, lr  }
0x1b: {  	s9 =	sadd.s32 $0xFFFFFEF7, lr;
	s5 =	simm.s32 $0xFFFFFFFF;
	p2 =	slt.u32 s8, $0xFFFFF086  }
0x1c: {  	p1 =	slt.u32 s9, $0xF7A;
	s5 =	simm.s32 @!p2 $0x0  }
0x1d: {  	s5 =	simm.s32 @p1 $0x1;
	p0 =	seq.s32 s7, s2  }
0x1e: {  	s7 =	smul.u32 @!p0 $0xF7A, s2;
	p2 =	seq.s32 @!p0 s5, $0x0  }
0x1f: {  	s9 =	smul.u32 $0xF7A, s1;
	s8 =	simm.s32 @!p0 $0x1BF5;
	p2 =	por !p2, p0  }
0x20: {  	[sflag:s8] =	ssyncset.s32 @!p0 $0xFFFFF086;
	s6 =	sadd.s32 @!p0 s3, s7;
	s7 =	simm.s32 @!p0 $0x108  }
0x21: {  	s3 =	sadd.s32 s3, s9;
	s6 =	sadd.s32 @!p0 $0x88, s6;
	s7 =	simm.s32 @p2 $0x1082  }
0x22: {  	[simem:s7], [sflag:s8] =	dma.local @!p0 [hbm:s6], $0xF7A  }
0x23: {  	s9 =	sor.u32 $0xD0000000, s2;
	s6 =	simm.s32 $0x108;
	_ =	swait.ge @!p0 [sflag:s8], $0x0  }
0x24: {  	s3 =	sadd.s32 $0x88, s3;
	s6 =	simm.s32 @!p1 $0x1082;
	[sflag:s4] =	ssyncset.s32 $0xFFFFF086  }
0x25: {  	[simem:s6], [sflag:s4] =	dma.local [hbm:s3], $0xF7A  }
0x26: {  	[smem:$0x3F9F] =	sst s1;
	(tag) =	ssettag s2;
	_ =	strace s9  }
0x27: {  	s1 =	sld [smem:$0x3FAF]  }
0x28: {  	s2 =	sld [smem:$0x3FB0]  }
0x29: {  	s4 =	sld [smem:$0x3FB2]  }
0x2a: {  	p0 =	seq.s32 s5, $0x0;
	s5 =	sld [smem:$0x3FB3]  }
0x2b: {  	s6 =	sld [smem:$0x3FB4]  }
0x2c: {  	s7 =	sld [smem:$0x3FB5]  }
0x2d: {  	s3 =	simm.s32 $0x108;
	s8 =	sld [smem:$0x3FB6]  }
0x2e: {  	s3 =	simm.s32 @!p0 $0x1082;
	s9 =	sld [smem:$0x3FB7]  }
0x2f: {  	lr =	sadd.s32 s0, s3;
	s0 =	sld [smem:$0x3FAE]  }
0x30: {  	s3 =	sld [smem:$0x3FB1]  }
0x31: {  	[smem:$0x3FBA] =	sst s10  }
0x32: {  	s10 =	sld [smem:$0x3FB8];
	_ =	sdelay $0x3  }
0x33: {  	p0 =	seq.s32 s10, $0x1;
	s10 =	sld [smem:$0x3FBA];
	_ =	sdelay $0x3  }
0x34: {  	[smem:$0x3FBA] =	sst s10  }
0x35: {  	s10 =	sld [smem:$0x3FB9];
	_ =	sdelay $0x3  }
0x36: {  	p1 =	seq.s32 s10, $0x1;
	s10 =	sld [smem:$0x3FBA];
	_ =	sdelay $0x3  }
0x37: {  	[smem:$0x3FBA] =	sst s10  }
0x38: {  	s10 =	sld [smem:$0x3FBB]  }
0x39: {  	_ = 	snop;
	(pc) =	sbr.ind lr, $3  }
0x3a: {  	_ = 	snop  }
0x3b: {  	_ = 	snop  }
0x3c: {  	p2 =	seq.s32 s10, $0x1;
	s10 =	sld [smem:$0x3FBA]  }
0x3d: {  	_ =	shalt  }
0x3e: {  	_ =	shalt  }
0x3f: {  	_ =	shalt  }
0x40: {  	_ =	shalt  }
0x41: {  	_ =	shalt  }
0x42: {  	_ =	shalt  }
0x43: {  	_ =	shalt  }
0x44: {  	_ =	shalt  }
0x45: {  	_ =	shalt  }
0x46: {  	_ =	shalt  }
0x47: {  	_ =	shalt  }
0x48: {  	_ =	shalt  }
0x49: {  	_ =	shalt  }
0x4a: {  	_ =	shalt  }
0x4b: {  	_ =	shalt  }
0x4c: {  	_ =	shalt  }
0x4d: {  	_ =	shalt  }
0x4e: {  	_ =	shalt  }
0x4f: {  	_ =	shalt  }
0x50: {  	_ =	shalt  }
0x51: {  	_ =	shalt  }
0x52: {  	_ =	shalt  }
0x53: {  	_ =	shalt  }
0x54: {  	_ =	shalt  }
0x55: {  	_ =	shalt  }
0x56: {  	_ =	shalt  }
0x57: {  	_ =	shalt  }
0x58: {  	_ =	shalt  }
0x59: {  	_ =	shalt  }
0x5a: {  	_ =	shalt  }
0x5b: {  	_ =	shalt  }
0x5c: {  	_ =	shalt  }
0x5d: {  	_ =	shalt  }
0x5e: {  	_ =	shalt  }
0x5f: {  	_ =	shalt  }
0x60: {  	_ =	shalt  }
0x61: {  	_ =	shalt  }
0x62: {  	_ =	shalt  }
0x63: {  	_ =	shalt  }
0x64: {  	_ =	shalt  }
0x65: {  	_ =	shalt  }
0x66: {  	_ =	shalt  }
0x67: {  	_ =	shalt  }
0x68: {  	_ =	shalt  }
0x69: {  	_ =	shalt  }
0x6a: {  	_ =	shalt  }
0x6b: {  	_ =	shalt  }
0x6c: {  	_ =	shalt  }
0x6d: {  	_ =	shalt  }
0x6e: {  	_ =	shalt  }
0x6f: {  	_ =	shalt  }
0x70: {  	_ =	shalt  }
0x71: {  	_ =	shalt  }
0x72: {  	_ =	shalt  }
0x73: {  	_ =	shalt  }
0x74: {  	_ =	shalt  }
0x75: {  	_ =	shalt  }
0x76: {  	_ =	shalt  }
0x77: {  	_ =	shalt  }
0x78: {  	_ =	shalt  }
0x79: {  	_ =	shalt  }
0x7a: {  	_ =	shalt  }
0x7b: {  	_ =	shalt  }
0x7c: {  	_ =	shalt  }
0x7d: {  	_ =	shalt  }
0x7e: {  	_ =	shalt  }
0x7f: {  	_ =	shalt  }
0x80: {  	_ =	shalt  }
0x81: {  	_ =	shalt  }
0x82: {  	_ =	shalt  }
0x83: {  	_ =	shalt  }
0x84: {  	_ =	shalt  }
0x85: {  	_ =	shalt  }
0x86: {  	_ =	shalt  }
0x87: {  	_ =	shalt  }
.Lfunc_end0:
.L_simem_size_0:
called_computation_lowered:
.L_overlay_start_0:
0x88: {  	s2 =	sld [smem:$0x3FD9]  }
0x89: {  	s3 =	sld [smem:$0x3FFE];
	_ =	sdelay $0x1  }
0x8a: {  	s1 =	srdreg.scid  }
0x8b: {  	s0 =	sand.u32 $0x1, s1  }
0x8c: {  	s14 =	sshll.u32 s0, $0xA;
	s2 =	sadd.s32 s3, s2  }
0x8d: {  	s2 =	sadd.s32 s2, s14  }
0x8e: {  	[smem:$0x3FC6] =	sst s2  }
0x8f: {  	_ = 	snop  }
0x90: {  	s2 =	sld [smem:$0x3FD0];
	_ =	sdelay $0x2  }
0x91: {  	s15 =	simm.s32 $0xA;
	s4 =	simm.s32 $0x10  }
0x92: {  	[smem:s4], [sflag:s15] =	dma.local [hbm:s2], $0x1  }
0x93: {  	_ =	swait.eq [sflag:s15], $0x1  }
0x94: {  	[sflag:s15] =	ssyncset.done $0x0  }
0x95: {  	s16 =	sld [smem:$0x10];
	[sflag:s15] =	ssyncadd.s32 $0xFFFFFFFF  }
0x96: {  	s17 =	sld [smem:$0x11];
	(tm) =	ssettm $0x1  }
0x97: {  	s18 =	sld [smem:$0x3FFB];
	_ =	sdelay $0x3  }
0x98: {  	_ =	strace s18  }
0x99: {  	s4 =	sld [smem:$0x3FFC];
	_ =	sdelay $0x3  }
0x9a: {  	_ =	strace s4  }
0x9b: {  	s4 =	sld [smem:$0x3FFD];
	_ =	sdelay $0x3  }
0x9c: {  	_ =	strace s4  }
0x9d: {  	_ =	strace $0x8FFFFFFF  }
0x9e: {  	s19 =	sld [smem:$0x3FDB];
	_ =	sdelay $0x1  }
0x9f: {  	s5 =	simm.s32 $_scs_section_size  }
0xa0: {  	s6 =	simm.s32 $_size__tile_overlayer_lowered;
	s7 =	simm.s32 $_tile_overlayer_lowered  }
0xa1: {  	s22 =	simm.s32 $0x1BFF;
	s21 =	sshll.u32 s7, $0x1;
	s4 =	sadd.s32 s5, s19  }
0xa2: {  	s8 =	simm.s32 $0x0;
	s20 =	sshll.u32 s6, $0x1;
	s6 =	sadd.s32 s21, s4  }
0xa3: {  	[timem:s8], [sflag:s22] =	dma.local [hbm:s6], s20  }
0xa4: {  	_ =	swait.ge [sflag:s22], s20  }
0xa5: {  	s5 =	ssub.s32 $0x0, s20;
	[sflag:s22] =	ssyncset.done $0x0  }
0xa6: {  	[sflag:s22] =	ssyncadd.s32 s5;
	_ =	sdelay $0x1  }
0xa7: {  	s23 =	simm.s32 $0x1B8B  }
0xa8: {  	_ =	swait.ge [sflag:s23], $0x1  }
0xa9: {  	[sflag:s23] =	ssyncset.done $0x0  }
0xaa: {  	s25 =	simm.s32 $0x1B8E;
	s24 =	sld [smem:$0x3FFE];
	[sflag:s23] =	ssyncadd.s32 $0xFFFFFFFF  }
0xab: {  	s26 =	simm.s32 $execute0_lowered;
	[smem:$0x3FD2] =	sst s25  }
0xac: {  	s6 =	sshll.u32 s26, $0x1;
	_ =	strace $0x80000046;
	[dreg:$0x1] =	wrdreg $0xFFFFFFFF  }
0xad: {  	s28 =	simm.s32 $_size_execute0_lowered;
	s4 =	sadd.s32 s4, s6;
	[dreg:$0x0] =	wrdreg $0x0  }
0xae: {  	s6 =	sshll.u32 s28, $0x1;
	[dreg:$0x2] =	wrdreg s4  }
0xaf: {  	[dreg:$0x3] =	wrdreg s6  }
0xb0: {  	[dreg:$0x4] =	wrdreg $0xC0  }
0xb1: {  	_ =	task [dreg:s8], $0x5FFFF  }
0xb2: {  	[dreg:$0x1] =	wrdreg $0xFFFFFFFF  }
0xb3: {  	[dreg:$0x0] =	wrdreg $0x60  }
0xb4: {  	[dreg:$0x2] =	wrdreg s17  }
0xb5: {  	[dreg:$0x3] =	wrdreg s16  }
0xb6: {  	[dreg:$0x4] =	wrdreg s24  }
0xb7: {  	[dreg:$0x5] =	wrdreg $0x9  }
0xb8: {  	_ =	task.clear_ibuf [dreg:s8], $0x6FFFF;
	_ =	strace $0x90000046  }
0xb9: {  	s29 =	simm.s32 $0x9;
	_ =	strace $0x80000048  }
0xba: {  	_ =	swait.ge [sflag:s29], $0x1  }
0xbb: {  	[sflag:s29] =	ssyncadd.s32 $0xFFFFFFFF  }
0xbc: {  	_ =	strace $0x90000048  }
0xbd: {  	_ =	sfence  }
0xbe: {  	s30 =	sld [smem:$0x0];
	_ =	sdelay $0x2  }
0xbf: {  	s31 =	sshll.u32 s1, $0xD;
	s1 =	sshrl.u32 s1, $0x2  }
0xc0: {  	s3 =	sand.u32 $0x4000, s31;
	s1 =	sadd.s32 s1, s30  }
0xc1: {  	s0 =	sor.u32 s3, s0;
	s1 =	sshll.u32 s1, $0x11  }
0xc2: {  	s0 =	sor.u32 s1, s0  }
0xc3: {  	s0 =	sadd.s32 $0x8F2B, s0  }
0xc4: {  	[sflag:s0] =	ssyncadd.remote.s32 $0x1  }
0xc5: {  	_ =	sfence.sel $0xFFFF  }
0xc6: {  	[dreg:$0x0] =	wrdreg $0xFFFFFFFF;
	(pc) =	sbr.abs _section_cstart, $3  }
0xc7: {  	[dreg:$0x1] =	wrdreg $0xFFFFFFFF  }
0xc8: {  	_ =	task.clear_ibuf [dreg:s8], $0x2FFFF;
	_ =	strace $0x9FFFFFFF  }
0xc9: {  	(tm) =	ssettm $0x7FFFFFFF  }
tec
execute0_lowered:
.L_overlay_start_1:
0x0: {  	(tag) =	ssettag $0x1  }
0x1: {  	s2 =	rddreg [dreg:$0x0]  }
0x2: {  	s4 =	rddreg [dreg:$0x1]  }
0x3: {  	s22 =	rddreg [dreg:$0x2];
	s3 =	srdreg.scid  }
0x4: {  	s0 =	rddreg [dreg:$0x3];
	s1 =	stileid.u32;
	s23 =	sand.u32 $0x1, s3  }
0x5: {  	s3 =	simm.s32 $0x0;
	s5 =	sshll.u32 s1, $0x8;
	s6 =	sshll.u32 s23, $0x7  }
0x6: {  	[smem:$0x7FF] =	sst s3;
	s24 =	sor.u32 s6, s5  }
0x7: {  	_ =	strace $0x80000047;
	s5 =	sadd.s32 s4, s24;
	s4 =	simm.s32 $0x2  }
0x8: {  	[tilespmem:s3], [sflag:$0x2] =	stream.linear.gather [hbm4b:s5+s3], $0x400, $0x38;
	[tilespmem:$0x800] =	vst v63  }
0x9: {  	_ =	swait.ge [sflag:s4], $0x400  }
0xa: {  	[sflag:s4] =	ssyncset.done $0x0  }
0xb: {  	s7 =	simm.s32 $0x400;
	s6 =	simm.s32 $0x80;
	[sflag:s4] =	ssyncadd.s32 $0xFFFFFC00  }
0xc: {  	[tilespmem:s7], [sflag:$0x1] =	stream.indirect.gather [hbm4b:s2+s6], $0x1, s3, s6, $0xb8;
	[tilespmem:$0x800] =	vst v63  }
0xd: {  	s8 =	simm.s32 $0x480  }
0xe: {  	[tilespmem:s8], [sflag:$0x1] =	stream.indirect.gather [hbm4b:s2+s6], $0x1, s6, s6, $0xb8;
	[tilespmem:$0x800] =	vst v63  }
0xf: {  	s9 =	simm.s32 $0x100;
	s10 =	simm.s32 $0x500  }
0x10: {  	[tilespmem:s10], [sflag:$0x1] =	stream.indirect.gather [hbm4b:s2+s6], $0x1, s9, s6, $0xb8;
	[tilespmem:$0x800] =	vst v63  }
0x11: {  	s11 =	simm.s32 $0x180;
	s12 =	simm.s32 $0x580  }
0x12: {  	[tilespmem:s12], [sflag:$0x1] =	stream.indirect.gather [hbm4b:s2+s6], $0x1, s11, s6, $0xb8;
	[tilespmem:$0x800] =	vst v63  }
0x13: {  	s13 =	simm.s32 $0x200;
	s14 =	simm.s32 $0x600  }
0x14: {  	[tilespmem:s14], [sflag:$0x1] =	stream.indirect.gather [hbm4b:s2+s6], $0x1, s13, s6, $0xb8;
	[tilespmem:$0x800] =	vst v63  }
0x15: {  	s15 =	simm.s32 $0x280;
	s16 =	simm.s32 $0x680  }
0x16: {  	[tilespmem:s16], [sflag:$0x1] =	stream.indirect.gather [hbm4b:s2+s6], $0x1, s15, s6, $0xb8;
	[tilespmem:$0x800] =	vst v63  }
0x17: {  	s17 =	simm.s32 $0x300;
	s18 =	simm.s32 $0x700  }
0x18: {  	[tilespmem:s18], [sflag:$0x1] =	stream.indirect.gather [hbm4b:s2+s6], $0x1, s17, s6, $0xb8;
	[tilespmem:$0x800] =	vst v63  }
0x19: {  	s19 =	simm.s32 $0x380;
	s20 =	simm.s32 $0x780;
	s21 =	simm.s32 $0x1  }
0x1a: {  	[tilespmem:s20], [sflag:$0x1] =	stream.indirect.gather [hbm4b:s2+s6], $0x1, s19, s6, $0xb8;
	[tilespmem:$0x800] =	vst v63  }
0x1b: {  	_ =	swait.ge [sflag:s21], $0x80  }
0x1c: {  	[sflag:s21] =	ssyncset.done $0x0  }
0x1d: {  	[sflag:s21] =	ssyncadd.s32 $0xFFFFFF80  }
0x1e: {  	_ =	swait.ge [sflag:s21], $0x80  }
0x1f: {  	[sflag:s21] =	ssyncset.done $0x0  }
0x20: {  	[sflag:s21] =	ssyncadd.s32 $0xFFFFFF80  }
0x21: {  	_ =	swait.ge [sflag:s21], $0x80  }
0x22: {  	[sflag:s21] =	ssyncset.done $0x0  }
0x23: {  	[sflag:s21] =	ssyncadd.s32 $0xFFFFFF80  }
0x24: {  	_ =	swait.ge [sflag:s21], $0x80  }
0x25: {  	[sflag:s21] =	ssyncset.done $0x0  }
0x26: {  	[sflag:s21] =	ssyncadd.s32 $0xFFFFFF80  }
0x27: {  	_ =	swait.ge [sflag:s21], $0x80  }
0x28: {  	[sflag:s21] =	ssyncset.done $0x0  }
0x29: {  	[sflag:s21] =	ssyncadd.s32 $0xFFFFFF80  }
0x2a: {  	_ =	swait.ge [sflag:s21], $0x80  }
0x2b: {  	[sflag:s21] =	ssyncset.done $0x0  }
0x2c: {  	s23 =	ssub.s32 $0x2, s23;
	[sflag:s21] =	ssyncadd.s32 $0xFFFFFF80  }
0x2d: {  	s25 =	sshrl.u32 s23, $0x1;
	_ =	swait.ge [sflag:s21], $0x80  }
0x2e: {  	s23 =	ssub.s32 s23, s25;
	[sflag:s21] =	ssyncset.done $0x0  }
0x2f: {  	s23 =	smax.u32 s23, $0x1;
	[sflag:s21] =	ssyncadd.s32 $0xFFFFFF80  }
0x30: {  	p0 =	sne.s32 s23, $0x1;
	_ =	swait.ge [sflag:s21], $0x80  }
.Ltmp0:
0x31: {  	s22 =	sadd.s32 s24, s22;
	[sflag:s21] =	ssyncset.done $0x0;
	(pc) =	sbr.rel @!p0 .LBB2_2-.Ltmp0, $4  }
0x32: {  	s22 =	sadd.s32 $0x400, s22;
	[sflag:s21] =	ssyncadd.s32 $0xFFFFFF80  }
0x33: {  	[hbm4b:s22+s3] =	stream.linear.scatter [tilespmem:s7], [sflag:$0x2], $0x400, $0x38;
	[tilespmem:$0x800] =	vst v63  }
0x34: {  	_ =	swait.ge [sflag:s4], $0x400  }
0x35: {  	s23 =	sadd.s32 $0xFFFFFFFF, s23;
	[sflag:s4] =	ssyncset.done $0x0  }
.LBB2_1:
0x36: {  	p0 =	sne.s32 s23, $0x1;
	s23 =	sadd.s32 $0xFFFFFFFF, s23;
	[sflag:s4] =	ssyncadd.s32 $0xFFFFFC00  }
0x37: {  	[tilespmem:s3], [sflag:$0x2] =	stream.linear.gather [hbm4b:s5+s3], $0x400, $0x38;
	[tilespmem:$0x800] =	vst v63  }
0x38: {  	_ =	swait.ge [sflag:s4], $0x400  }
0x39: {  	[sflag:s4] =	ssyncset.done $0x0  }
0x3a: {  	[sflag:s4] =	ssyncadd.s32 $0xFFFFFC00  }
0x3b: {  	[tilespmem:s7], [sflag:$0x1] =	stream.indirect.gather [hbm4b:s2+s6], $0x1, s3, s6, $0xb8;
	[tilespmem:$0x800] =	vst v63  }
0x3c: {  	_ = 	snop  }
0x3d: {  	[tilespmem:s8], [sflag:$0x1] =	stream.indirect.gather [hbm4b:s2+s6], $0x1, s6, s6, $0xb8;
	[tilespmem:$0x800] =	vst v63  }
0x3e: {  	_ = 	snop  }
0x3f: {  	[tilespmem:s10], [sflag:$0x1] =	stream.indirect.gather [hbm4b:s2+s6], $0x1, s9, s6, $0xb8;
	[tilespmem:$0x800] =	vst v63  }
0x40: {  	_ = 	snop  }
0x41: {  	[tilespmem:s12], [sflag:$0x1] =	stream.indirect.gather [hbm4b:s2+s6], $0x1, s11, s6, $0xb8;
	[tilespmem:$0x800] =	vst v63  }
0x42: {  	_ = 	snop  }
0x43: {  	[tilespmem:s14], [sflag:$0x1] =	stream.indirect.gather [hbm4b:s2+s6], $0x1, s13, s6, $0xb8;
	[tilespmem:$0x800] =	vst v63  }
0x44: {  	_ = 	snop  }
0x45: {  	[tilespmem:s16], [sflag:$0x1] =	stream.indirect.gather [hbm4b:s2+s6], $0x1, s15, s6, $0xb8;
	[tilespmem:$0x800] =	vst v63  }
0x46: {  	_ = 	snop  }
0x47: {  	[tilespmem:s18], [sflag:$0x1] =	stream.indirect.gather [hbm4b:s2+s6], $0x1, s17, s6, $0xb8;
	[tilespmem:$0x800] =	vst v63  }
0x48: {  	_ = 	snop  }
0x49: {  	[tilespmem:s20], [sflag:$0x1] =	stream.indirect.gather [hbm4b:s2+s6], $0x1, s19, s6, $0xb8;
	[tilespmem:$0x800] =	vst v63  }
0x4a: {  	_ =	swait.ge [sflag:s21], $0x80  }
0x4b: {  	[sflag:s21] =	ssyncset.done $0x0  }
0x4c: {  	[sflag:s21] =	ssyncadd.s32 $0xFFFFFF80  }
0x4d: {  	_ =	swait.ge [sflag:s21], $0x80  }
0x4e: {  	[sflag:s21] =	ssyncset.done $0x0  }
0x4f: {  	[sflag:s21] =	ssyncadd.s32 $0xFFFFFF80  }
0x50: {  	_ =	swait.ge [sflag:s21], $0x80  }
0x51: {  	[sflag:s21] =	ssyncset.done $0x0  }
0x52: {  	[sflag:s21] =	ssyncadd.s32 $0xFFFFFF80  }
0x53: {  	_ =	swait.ge [sflag:s21], $0x80  }
0x54: {  	[sflag:s21] =	ssyncset.done $0x0  }
0x55: {  	[sflag:s21] =	ssyncadd.s32 $0xFFFFFF80  }
0x56: {  	_ =	swait.ge [sflag:s21], $0x80  }
0x57: {  	[sflag:s21] =	ssyncset.done $0x0  }
0x58: {  	[sflag:s21] =	ssyncadd.s32 $0xFFFFFF80  }
0x59: {  	_ =	swait.ge [sflag:s21], $0x80  }
0x5a: {  	[sflag:s21] =	ssyncset.done $0x0  }
0x5b: {  	[sflag:s21] =	ssyncadd.s32 $0xFFFFFF80  }
0x5c: {  	_ =	swait.ge [sflag:s21], $0x80  }
0x5d: {  	[sflag:s21] =	ssyncset.done $0x0  }
0x5e: {  	[sflag:s21] =	ssyncadd.s32 $0xFFFFFF80  }
0x5f: {  	_ =	swait.ge [sflag:s21], $0x80  }
.Ltmp1:
0x60: {  	[sflag:s21] =	ssyncset.done $0x0;
	(pc) =	sbr.rel @p0 .LBB2_1-.Ltmp1, $4  }
0x61: {  	[sflag:s21] =	ssyncadd.s32 $0xFFFFFF80  }
0x62: {  	[hbm4b:s22+s3] =	stream.linear.scatter [tilespmem:s7], [sflag:$0x2], $0x400, $0x38;
	[tilespmem:$0x800] =	vst v63  }
0x63: {  	_ =	swait.ge [sflag:s4], $0x400  }
0x64: {  	[sflag:s4] =	ssyncset.done $0x0  }
.LBB2_2:
0x65: {  	[sflag:s4] =	ssyncadd.s32 $0xFFFFFC00  }
0x66: {  	_ =	sfence.sel $0x180000  }
0x67: {  	[bflag:$0x0] =	sbarrier.arrive $0xFFFF  }
0x68: {  	p0 =	sne.s32 s1, $0x0;
	_ =	strace $0x90000047  }
0x69: {  	s0 =	sadd.s32 @!p0 $0x100000, s0;
	[bflag:$0x2] =	sbarrier.arrive $0xFFFF  }
0x6a: {  	[sflag:s0] =	ssyncadd.tile.s32 @!p0 $0x1;
	_ =	shalt  }
.Lfunc_end2:
_tile_overlayer_lowered:
.L_overlay_start_2:
0x6b: {  	(tag) =	ssettag $0x2  }
0x6c: {  	s0 =	rddreg [dreg:$0x0];
	s2 =	stileid.u32  }
0x6d: {  	s1 =	rddreg [dreg:$0x1];
	p0 =	sne.s32 s2, $0x0  }
0x6e: {  	s3 =	rddreg [dreg:$0x2];
	[bflag:$0x3] =	sbarrier.arrive $0xFFFF;
	s2 =	simm.s32 @!p0 $0x1C02  }
0x6f: {  	[timem:s3], [sflag:s2] =	dma.local @!p0 [hbm:s0], s1  }
0x70: {  	s0 =	simm.s32 @!p0 $0x2  }
0x71: {  	_ =	swait.ge @!p0 [sflag:s0], s1  }
0x72: {  	s1 =	ssub.s32 @!p0 $0x0, s1;
	[sflag:s0] =	ssyncset.done @!p0 $0x0  }
0x73: {  	[sflag:s0] =	ssyncadd.s32 @!p0 s1  }
0x74: {  	[bflag:$0x3] =	sbarrier.arrive $0xFFFF  }
0x75: {  	_ =	shalt  }

</sc_bundles>
